<compile_context>
chip_gen: v7x
topology: tpu7x:2x2x1
jax: 0.10.2.dev20260603
libtpu: 0.0.44.dev20260713+nightly
codegen_flags: <defaults>
</compile_context>

<pallas_src>
import functools

import jax
import jax.numpy as jnp
from jax import lax
from jax.experimental import pallas as pl
from jax.experimental.pallas import tpu as pltpu
from jax.experimental.pallas import tpu_sc as plsc

TOKENS = 8192
D_IN = 1024
D_H = 512
NE = 16

NC = 2
NS = 16
L = 16
NW = NC * NS
TPW = TOKENS // NW
GROUPS = TPW // L


def _mlp_body(x_ref, w1_ref, b1_ref, w2_ref, b2_ref, out_ref):
    h = jax.lax.dot_general(
        x_ref[...], w1_ref[...], (((1,), (0,)), ((), ())),
        preferred_element_type=jnp.float32)
    h = jnp.maximum(h + b1_ref[...], 0.0)
    logits = jax.lax.dot_general(
        h, w2_ref[...], (((1,), (0,)), ((), ())),
        preferred_element_type=jnp.float32)
    out_ref[...] = logits + b2_ref[...]


def _mlp_logits(x, W1, b1, W2, b2, bm=2048):
    grid = (TOKENS // bm,)
    return pl.pallas_call(
        _mlp_body,
        grid=grid,
        in_specs=[
            pl.BlockSpec((bm, D_IN), lambda i: (i, 0)),
            pl.BlockSpec((D_IN, D_H), lambda i: (0, 0)),
            pl.BlockSpec((D_H,), lambda i: (0,)),
            pl.BlockSpec((D_H, NE), lambda i: (0, 0)),
            pl.BlockSpec((NE,), lambda i: (0,)),
        ],
        out_specs=pl.BlockSpec((bm, NE), lambda i: (i, 0)),
        out_shape=jax.ShapeDtypeStruct((TOKENS, NE), jnp.float32),
        compiler_params=pltpu.CompilerParams(
            dimension_semantics=("parallel",)),
    )(x, W1, b1, W2, b2)


def _make_gate_body(tpw):
    def _gate_body(logits_hbm, out_hbm, lbuf, obuf):
        wid = lax.axis_index("s") * NC + lax.axis_index("c")
        base = wid * tpw
        pltpu.sync_copy(logits_hbm.at[pl.ds(base, tpw)], lbuf)

        iota = lax.iota(jnp.int32, NE)

        def _one_token(t):
            l = lbuf[t, :]
            m1 = jnp.max(l, axis=0)
            i1 = plsc.all_reduce_ffs(l == m1)
            l2 = jnp.where(iota == i1, -3.0e38, l)
            m2 = jnp.max(l2, axis=0)
            i2 = plsc.all_reduce_ffs(l2 == m2)
            keep = (iota == i1) | (iota == i2)
            ek = jnp.where(keep, jnp.exp(l - m1), 0.0)
            denom = jnp.sum(ek, axis=0)
            obuf[t, :] = ek / jnp.broadcast_to(denom, (NE,))

        unroll = 4
        def _group(g, carry):
            t0 = g * unroll
            for k in range(unroll):
                _one_token(t0 + k)
            return carry

        lax.fori_loop(0, tpw // unroll, _group, 0)

        pltpu.sync_copy(obuf, out_hbm.at[pl.ds(base, tpw)])

    return _gate_body


_GATE_SC = {}


def _gate_sc(logits):
    rows = logits.shape[0]
    if rows not in _GATE_SC:
        tpw = rows // NW
        _GATE_SC[rows] = functools.partial(
            pl.kernel,
            mesh=plsc.VectorSubcoreMesh(core_axis_name="c",
                                        subcore_axis_name="s"),
            out_type=jax.ShapeDtypeStruct((rows, NE), jnp.float32),
            scratch_types=[
                pltpu.VMEM((tpw, NE), jnp.float32),
                pltpu.VMEM((tpw, NE), jnp.float32),
            ],
            compiler_params=pltpu.CompilerParams(
                needs_layout_passes=False),
        )(_make_gate_body(tpw))
    return _GATE_SC[rows](logits)


def kernel(inputs, W1, b1, W2, b2):
    logits = _mlp_logits(inputs, W1, b1, W2, b2)
    return _gate_sc(logits)

# --- scband reference (transcript-rebuilt; emitter-appended) ---
"""Pipeline reference for scband-sparse-top-kgating-77051713290877 (READ-ONLY COPY).

The authoritative reference and input builder live on the scoring server;
editing this copy changes nothing except your own understanding.
"""

import jax, jax.numpy as jnp
import numpy as np

EPS = 1e-09
TOP_K = 2
NUM_EXPERTS = 16


def setup_inputs(seed: int = 0) -> dict:
    key = jax.random.key(seed)
    k1, k2, k3, k4, k5 = jax.random.split(key, 5)
    input_dim, hidden_dim, num_experts = 1024, 512, NUM_EXPERTS
    tokens = 8192
    inputs = jax.random.normal(k1, (tokens, input_dim), dtype=jnp.float32)
    # Kaiming-ish init for linear layers
    W1 = jax.random.normal(k2, (input_dim, hidden_dim), dtype=jnp.float32) * (1.0 / np.sqrt(input_dim))
    b1 = jnp.zeros((hidden_dim,), dtype=jnp.float32)
    W2 = jax.random.normal(k3, (hidden_dim, num_experts), dtype=jnp.float32) * (1.0 / np.sqrt(hidden_dim))
    b2 = jnp.zeros((num_experts,), dtype=jnp.float32)
    return {"inputs": inputs, "W1": W1, "b1": b1, "W2": W2, "b2": b2}


def reference(inputs, W1, b1, W2, b2):
    h = jnp.maximum(inputs @ W1 + b1, 0.0)
    logits = h @ W2 + b2
    probs = jax.nn.softmax(logits, axis=-1)
    if TOP_K >= NUM_EXPERTS:
        return probs
    top_vals, top_idx = jax.lax.top_k(probs, TOP_K)
    n = probs.shape[0]
    rows = jnp.arange(n)[:, None]
    mask = jnp.zeros_like(probs).at[rows, top_idx].set(top_vals)
    denom = jnp.maximum(jnp.sum(mask, axis=-1, keepdims=True), EPS)
    return mask / denom

if __name__ == "__main__":
    import jax
    _d = setup_inputs()
    print(jax.jit(kernel)(*tuple(_d.values())))

</pallas_src>

<mosaic_0001>
#map = affine_map<(d0, d1) -> (0, 0)>
module attributes {stable_mosaic.version = 14 : i64} {
  func.func @_gate_body(%arg0: i32, %arg1: i32, %arg2: memref<8192x16xf32, #tpu.memory_space<hbm>>, %arg3: memref<8192x16xf32, #tpu.memory_space<hbm>>, %arg4: memref<256x16xf32, #tpu.memory_space<vmem>>, %arg5: memref<256x16xf32, #tpu.memory_space<vmem>>) attributes {dimension_semantics = [#tpu.dimension_semantics<core_parallel>, #tpu.dimension_semantics<subcore_parallel>], iteration_bounds = array<i64: 2, 16>, scalar_prefetch = 0 : i64, scratch_operands = 2 : i64, tpu.core_type = #tpu.core_type<sc_vector_subcore>, window_params = [{transform_indices = #map}, {transform_indices = #map}]} {
    %mul3A = arith.constant 2 : i32
    %mul3A_0 = arith.muli %arg1, %mul3A : i32
    %add3A = arith.addi %mul3A_0, %arg0 : i32
    %mul3A_1 = arith.constant 256 : i32
    %mul3A_2 = arith.muli %add3A, %mul3A_1 : i32
    "tpu.region"() ({
      %run_scoped3A = tpu.sem_alloc : memref<!tpu.dma_semaphore, #tpu.memory_space<semaphore_mem>>
      %dma_start3A = arith.constant 0 : i32
      %dma_start3A_8 = tpu.memref_slice %arg2[%mul3A_2, %dma_start3A] : memref<8192x16xf32, #tpu.memory_space<hbm>> -> memref<256x16xf32, #tpu.memory_space<hbm>>
      %dma_start3A_9 = arith.constant 0 : i32
      %dma_start3A_10 = tpu.memref_slice %arg2[%mul3A_2, %dma_start3A_9] : memref<8192x16xf32, #tpu.memory_space<hbm>> -> memref<256x16xf32, #tpu.memory_space<hbm>>
      tpu.enqueue_dma source(%dma_start3A_10 : memref<256x16xf32, #tpu.memory_space<hbm>>) target(%arg4 : memref<256x16xf32, #tpu.memory_space<vmem>>) target_semaphore(%run_scoped3A : memref<!tpu.dma_semaphore, #tpu.memory_space<semaphore_mem>>)
      %dma_wait3A = arith.constant 0 : i32
      %dma_wait3A_11 = tpu.memref_slice %arg2[%mul3A_2, %dma_wait3A] : memref<8192x16xf32, #tpu.memory_space<hbm>> -> memref<256x16xf32, #tpu.memory_space<hbm>>
      %dma_wait3A_12 = arith.constant 0 : i32
      %dma_wait3A_13 = tpu.memref_slice %arg2[%mul3A_2, %dma_wait3A_12] : memref<8192x16xf32, #tpu.memory_space<hbm>> -> memref<256x16xf32, #tpu.memory_space<hbm>>
      tpu.wait_dma2 semaphore(%run_scoped3A : memref<!tpu.dma_semaphore, #tpu.memory_space<semaphore_mem>>) src(%dma_wait3A_13 : memref<256x16xf32, #tpu.memory_space<hbm>>) dst(%arg4 : memref<256x16xf32, #tpu.memory_space<vmem>>)
      tpu.yield
    }) : () -> ()
    %iota3A = tpu.iota {dimensions = array<i32: 0>} : vector<16xi32>
    %scan3A = arith.constant 0 : i32
    %scan3A_3 = arith.constant 0 : i32
    %scan3A_4 = arith.constant 64 : i32
    %scan3A_5 = arith.addi %scan3A_3, %scan3A_4 : i32
    %scan3A_6 = arith.constant 1 : i32
    scf.for %scan3A_8 = %scan3A_3 to %scan3A_5 step %scan3A_6  : i32 {
      %mul3A_9 = arith.constant 4 : i32
      %mul3A_10 = arith.muli %scan3A_8, %mul3A_9 : i32
      %add3A_11 = arith.constant 0 : i32
      %add3A_12 = arith.addi %mul3A_10, %add3A_11 : i32
      %get3A = arith.index_cast %add3A_12 : i32 to index
      %get3A_13 = arith.constant 0 : index
      %get3A_14 = tpu.vector_load %arg4[%get3A, %get3A_13] {strides = array<i32>} : memref<256x16xf32, #tpu.memory_space<vmem>>, vector<16xf32>,
      %reduce_max3A = arith.constant true
      %reduce_max3A_15 = vector.broadcast %reduce_max3A : i1 to vector<16xi1>
      %reduce_max3A_16 = tpu.scan <max>, %get3A_14 masked %reduce_max3A_15 : vector<16xf32>, vector<16xi1> -> vector<16xf32>
      %reduce_max3A_17 = vector.extract %reduce_max3A_16[15] : f32 from vector<16xf32>
      %eq3A = vector.broadcast %reduce_max3A_17 : f32 to vector<16xf32>
      %eq3A_18 = arith.cmpf oeq, %get3A_14, %eq3A : vector<16xf32>
      %all_reduce_ffs3A = tpu.all_reduce %eq3A_18 {dim = 0 : i64, kind = #tpu.reduction_kind<find_first_set>} : vector<16xi1> -> vector<16xi32>
      %eq3A_19 = arith.cmpi eq, %iota3A, %all_reduce_ffs3A : vector<16xi32>
      %jit3A = arith.constant -3.000000e+38 : f32
      %broadcast_in_dim3A = vector.broadcast %jit3A : f32 to vector<16xf32>
      %select_n3A = arith.select %eq3A_19, %broadcast_in_dim3A, %get3A_14 : vector<16xi1>, vector<16xf32>
      %reduce_max3A_20 = arith.constant true
      %reduce_max3A_21 = vector.broadcast %reduce_max3A_20 : i1 to vector<16xi1>
      %reduce_max3A_22 = tpu.scan <max>, %select_n3A masked %reduce_max3A_21 : vector<16xf32>, vector<16xi1> -> vector<16xf32>
      %reduce_max3A_23 = vector.extract %reduce_max3A_22[15] : f32 from vector<16xf32>
      %eq3A_24 = vector.broadcast %reduce_max3A_23 : f32 to vector<16xf32>
      %eq3A_25 = arith.cmpf oeq, %select_n3A, %eq3A_24 : vector<16xf32>
      %all_reduce_ffs3A_26 = tpu.all_reduce %eq3A_25 {dim = 0 : i64, kind = #tpu.reduction_kind<find_first_set>} : vector<16xi1> -> vector<16xi32>
      %eq3A_27 = arith.cmpi eq, %iota3A, %all_reduce_ffs3A : vector<16xi32>
      %eq3A_28 = arith.cmpi eq, %iota3A, %all_reduce_ffs3A_26 : vector<16xi32>
      %or3A = arith.ori %eq3A_27, %eq3A_28 : vector<16xi1>
      %sub3A = vector.broadcast %reduce_max3A_17 : f32 to vector<16xf32>
      %sub3A_29 = arith.subf %get3A_14, %sub3A : vector<16xf32>
      %exp3A = math.exp %sub3A_29 : vector<16xf32>
      %jit3A_30 = arith.constant 0.000000e+00 : f32
      %broadcast_in_dim3A_31 = vector.broadcast %jit3A_30 : f32 to vector<16xf32>
      %select_n3A_32 = arith.select %or3A, %exp3A, %broadcast_in_dim3A_31 : vector<16xi1>, vector<16xf32>
      %reduce_sum3A = arith.constant true
      %reduce_sum3A_33 = vector.broadcast %reduce_sum3A : i1 to vector<16xi1>
      %reduce_sum3A_34 = tpu.scan <sum>, %select_n3A_32 masked %reduce_sum3A_33 : vector<16xf32>, vector<16xi1> -> vector<16xf32>
      %reduce_sum3A_35 = vector.extract %reduce_sum3A_34[15] : f32 from vector<16xf32>
      %broadcast_in_dim3A_36 = vector.broadcast %reduce_sum3A_35 : f32 to vector<16xf32>
      %div3A = arith.divf %select_n3A_32, %broadcast_in_dim3A_36 : vector<16xf32>
      %swap3A = arith.index_cast %add3A_12 : i32 to index
      %swap3A_37 = arith.constant 0 : index
      %swap3A_38 = tpu.vector_load %arg5[%swap3A, %swap3A_37] {strides = array<i32>} : memref<256x16xf32, #tpu.memory_space<vmem>>, vector<16xf32>,
      tpu.vector_store %arg5[%swap3A, %swap3A_37], %div3A {strides = array<i32>} : memref<256x16xf32, #tpu.memory_space<vmem>>, vector<16xf32>,
      %add3A_39 = arith.constant 1 : i32
      %add3A_40 = arith.addi %mul3A_10, %add3A_39 : i32
      %get3A_41 = arith.index_cast %add3A_40 : i32 to index
      %get3A_42 = arith.constant 0 : index
      %get3A_43 = tpu.vector_load %arg4[%get3A_41, %get3A_42] {strides = array<i32>} : memref<256x16xf32, #tpu.memory_space<vmem>>, vector<16xf32>,
      %reduce_max3A_44 = arith.constant true
      %reduce_max3A_45 = vector.broadcast %reduce_max3A_44 : i1 to vector<16xi1>
      %reduce_max3A_46 = tpu.scan <max>, %get3A_43 masked %reduce_max3A_45 : vector<16xf32>, vector<16xi1> -> vector<16xf32>
      %reduce_max3A_47 = vector.extract %reduce_max3A_46[15] : f32 from vector<16xf32>
      %eq3A_48 = vector.broadcast %reduce_max3A_47 : f32 to vector<16xf32>
      %eq3A_49 = arith.cmpf oeq, %get3A_43, %eq3A_48 : vector<16xf32>
      %all_reduce_ffs3A_50 = tpu.all_reduce %eq3A_49 {dim = 0 : i64, kind = #tpu.reduction_kind<find_first_set>} : vector<16xi1> -> vector<16xi32>
      %eq3A_51 = arith.cmpi eq, %iota3A, %all_reduce_ffs3A_50 : vector<16xi32>
      %jit3A_52 = arith.constant -3.000000e+38 : f32
      %broadcast_in_dim3A_53 = vector.broadcast %jit3A_52 : f32 to vector<16xf32>
      %select_n3A_54 = arith.select %eq3A_51, %broadcast_in_dim3A_53, %get3A_43 : vector<16xi1>, vector<16xf32>
      %reduce_max3A_55 = arith.constant true
      %reduce_max3A_56 = vector.broadcast %reduce_max3A_55 : i1 to vector<16xi1>
      %reduce_max3A_57 = tpu.scan <max>, %select_n3A_54 masked %reduce_max3A_56 : vector<16xf32>, vector<16xi1> -> vector<16xf32>
      %reduce_max3A_58 = vector.extract %reduce_max3A_57[15] : f32 from vector<16xf32>
      %eq3A_59 = vector.broadcast %reduce_max3A_58 : f32 to vector<16xf32>
      %eq3A_60 = arith.cmpf oeq, %select_n3A_54, %eq3A_59 : vector<16xf32>
      %all_reduce_ffs3A_61 = tpu.all_reduce %eq3A_60 {dim = 0 : i64, kind = #tpu.reduction_kind<find_first_set>} : vector<16xi1> -> vector<16xi32>
      %eq3A_62 = arith.cmpi eq, %iota3A, %all_reduce_ffs3A_50 : vector<16xi32>
      %eq3A_63 = arith.cmpi eq, %iota3A, %all_reduce_ffs3A_61 : vector<16xi32>
      %or3A_64 = arith.ori %eq3A_62, %eq3A_63 : vector<16xi1>
      %sub3A_65 = vector.broadcast %reduce_max3A_47 : f32 to vector<16xf32>
      %sub3A_66 = arith.subf %get3A_43, %sub3A_65 : vector<16xf32>
      %exp3A_67 = math.exp %sub3A_66 : vector<16xf32>
      %jit3A_68 = arith.constant 0.000000e+00 : f32
      %broadcast_in_dim3A_69 = vector.broadcast %jit3A_68 : f32 to vector<16xf32>
      %select_n3A_70 = arith.select %or3A_64, %exp3A_67, %broadcast_in_dim3A_69 : vector<16xi1>, vector<16xf32>
      %reduce_sum3A_71 = arith.constant true
      %reduce_sum3A_72 = vector.broadcast %reduce_sum3A_71 : i1 to vector<16xi1>
      %reduce_sum3A_73 = tpu.scan <sum>, %select_n3A_70 masked %reduce_sum3A_72 : vector<16xf32>, vector<16xi1> -> vector<16xf32>
      %reduce_sum3A_74 = vector.extract %reduce_sum3A_73[15] : f32 from vector<16xf32>
      %broadcast_in_dim3A_75 = vector.broadcast %reduce_sum3A_74 : f32 to vector<16xf32>
      %div3A_76 = arith.divf %select_n3A_70, %broadcast_in_dim3A_75 : vector<16xf32>
      %swap3A_77 = arith.index_cast %add3A_40 : i32 to index
      %swap3A_78 = arith.constant 0 : index
      %swap3A_79 = tpu.vector_load %arg5[%swap3A_77, %swap3A_78] {strides = array<i32>} : memref<256x16xf32, #tpu.memory_space<vmem>>, vector<16xf32>,
      tpu.vector_store %arg5[%swap3A_77, %swap3A_78], %div3A_76 {strides = array<i32>} : memref<256x16xf32, #tpu.memory_space<vmem>>, vector<16xf32>,
      %add3A_80 = arith.constant 2 : i32
      %add3A_81 = arith.addi %mul3A_10, %add3A_80 : i32
      %get3A_82 = arith.index_cast %add3A_81 : i32 to index
      %get3A_83 = arith.constant 0 : index
      %get3A_84 = tpu.vector_load %arg4[%get3A_82, %get3A_83] {strides = array<i32>} : memref<256x16xf32, #tpu.memory_space<vmem>>, vector<16xf32>,
      %reduce_max3A_85 = arith.constant true
      %reduce_max3A_86 = vector.broadcast %reduce_max3A_85 : i1 to vector<16xi1>
      %reduce_max3A_87 = tpu.scan <max>, %get3A_84 masked %reduce_max3A_86 : vector<16xf32>, vector<16xi1> -> vector<16xf32>
      %reduce_max3A_88 = vector.extract %reduce_max3A_87[15] : f32 from vector<16xf32>
      %eq3A_89 = vector.broadcast %reduce_max3A_88 : f32 to vector<16xf32>
      %eq3A_90 = arith.cmpf oeq, %get3A_84, %eq3A_89 : vector<16xf32>
      %all_reduce_ffs3A_91 = tpu.all_reduce %eq3A_90 {dim = 0 : i64, kind = #tpu.reduction_kind<find_first_set>} : vector<16xi1> -> vector<16xi32>
      %eq3A_92 = arith.cmpi eq, %iota3A, %all_reduce_ffs3A_91 : vector<16xi32>
      %jit3A_93 = arith.constant -3.000000e+38 : f32
      %broadcast_in_dim3A_94 = vector.broadcast %jit3A_93 : f32 to vector<16xf32>
      %select_n3A_95 = arith.select %eq3A_92, %broadcast_in_dim3A_94, %get3A_84 : vector<16xi1>, vector<16xf32>
      %reduce_max3A_96 = arith.constant true
      %reduce_max3A_97 = vector.broadcast %reduce_max3A_96 : i1 to vector<16xi1>
      %reduce_max3A_98 = tpu.scan <max>, %select_n3A_95 masked %reduce_max3A_97 : vector<16xf32>, vector<16xi1> -> vector<16xf32>
      %reduce_max3A_99 = vector.extract %reduce_max3A_98[15] : f32 from vector<16xf32>
      %eq3A_100 = vector.broadcast %reduce_max3A_99 : f32 to vector<16xf32>
      %eq3A_101 = arith.cmpf oeq, %select_n3A_95, %eq3A_100 : vector<16xf32>
      %all_reduce_ffs3A_102 = tpu.all_reduce %eq3A_101 {dim = 0 : i64, kind = #tpu.reduction_kind<find_first_set>} : vector<16xi1> -> vector<16xi32>
      %eq3A_103 = arith.cmpi eq, %iota3A, %all_reduce_ffs3A_91 : vector<16xi32>
      %eq3A_104 = arith.cmpi eq, %iota3A, %all_reduce_ffs3A_102 : vector<16xi32>
      %or3A_105 = arith.ori %eq3A_103, %eq3A_104 : vector<16xi1>
      %sub3A_106 = vector.broadcast %reduce_max3A_88 : f32 to vector<16xf32>
      %sub3A_107 = arith.subf %get3A_84, %sub3A_106 : vector<16xf32>
      %exp3A_108 = math.exp %sub3A_107 : vector<16xf32>
      %jit3A_109 = arith.constant 0.000000e+00 : f32
      %broadcast_in_dim3A_110 = vector.broadcast %jit3A_109 : f32 to vector<16xf32>
      %select_n3A_111 = arith.select %or3A_105, %exp3A_108, %broadcast_in_dim3A_110 : vector<16xi1>, vector<16xf32>
      %reduce_sum3A_112 = arith.constant true
      %reduce_sum3A_113 = vector.broadcast %reduce_sum3A_112 : i1 to vector<16xi1>
      %reduce_sum3A_114 = tpu.scan <sum>, %select_n3A_111 masked %reduce_sum3A_113 : vector<16xf32>, vector<16xi1> -> vector<16xf32>
      %reduce_sum3A_115 = vector.extract %reduce_sum3A_114[15] : f32 from vector<16xf32>
      %broadcast_in_dim3A_116 = vector.broadcast %reduce_sum3A_115 : f32 to vector<16xf32>
      %div3A_117 = arith.divf %select_n3A_111, %broadcast_in_dim3A_116 : vector<16xf32>
      %swap3A_118 = arith.index_cast %add3A_81 : i32 to index
      %swap3A_119 = arith.constant 0 : index
      %swap3A_120 = tpu.vector_load %arg5[%swap3A_118, %swap3A_119] {strides = array<i32>} : memref<256x16xf32, #tpu.memory_space<vmem>>, vector<16xf32>,
      tpu.vector_store %arg5[%swap3A_118, %swap3A_119], %div3A_117 {strides = array<i32>} : memref<256x16xf32, #tpu.memory_space<vmem>>, vector<16xf32>,
      %add3A_121 = arith.constant 3 : i32
      %add3A_122 = arith.addi %mul3A_10, %add3A_121 : i32
      %get3A_123 = arith.index_cast %add3A_122 : i32 to index
      %get3A_124 = arith.constant 0 : index
      %get3A_125 = tpu.vector_load %arg4[%get3A_123, %get3A_124] {strides = array<i32>} : memref<256x16xf32, #tpu.memory_space<vmem>>, vector<16xf32>,
      %reduce_max3A_126 = arith.constant true
      %reduce_max3A_127 = vector.broadcast %reduce_max3A_126 : i1 to vector<16xi1>
      %reduce_max3A_128 = tpu.scan <max>, %get3A_125 masked %reduce_max3A_127 : vector<16xf32>, vector<16xi1> -> vector<16xf32>
      %reduce_max3A_129 = vector.extract %reduce_max3A_128[15] : f32 from vector<16xf32>
      %eq3A_130 = vector.broadcast %reduce_max3A_129 : f32 to vector<16xf32>
      %eq3A_131 = arith.cmpf oeq, %get3A_125, %eq3A_130 : vector<16xf32>
      %all_reduce_ffs3A_132 = tpu.all_reduce %eq3A_131 {dim = 0 : i64, kind = #tpu.reduction_kind<find_first_set>} : vector<16xi1> -> vector<16xi32>
      %eq3A_133 = arith.cmpi eq, %iota3A, %all_reduce_ffs3A_132 : vector<16xi32>
      %jit3A_134 = arith.constant -3.000000e+38 : f32
      %broadcast_in_dim3A_135 = vector.broadcast %jit3A_134 : f32 to vector<16xf32>
      %select_n3A_136 = arith.select %eq3A_133, %broadcast_in_dim3A_135, %get3A_125 : vector<16xi1>, vector<16xf32>
      %reduce_max3A_137 = arith.constant true
      %reduce_max3A_138 = vector.broadcast %reduce_max3A_137 : i1 to vector<16xi1>
      %reduce_max3A_139 = tpu.scan <max>, %select_n3A_136 masked %reduce_max3A_138 : vector<16xf32>, vector<16xi1> -> vector<16xf32>
      %reduce_max3A_140 = vector.extract %reduce_max3A_139[15] : f32 from vector<16xf32>
      %eq3A_141 = vector.broadcast %reduce_max3A_140 : f32 to vector<16xf32>
      %eq3A_142 = arith.cmpf oeq, %select_n3A_136, %eq3A_141 : vector<16xf32>
      %all_reduce_ffs3A_143 = tpu.all_reduce %eq3A_142 {dim = 0 : i64, kind = #tpu.reduction_kind<find_first_set>} : vector<16xi1> -> vector<16xi32>
      %eq3A_144 = arith.cmpi eq, %iota3A, %all_reduce_ffs3A_132 : vector<16xi32>
      %eq3A_145 = arith.cmpi eq, %iota3A, %all_reduce_ffs3A_143 : vector<16xi32>
      %or3A_146 = arith.ori %eq3A_144, %eq3A_145 : vector<16xi1>
      %sub3A_147 = vector.broadcast %reduce_max3A_129 : f32 to vector<16xf32>
      %sub3A_148 = arith.subf %get3A_125, %sub3A_147 : vector<16xf32>
      %exp3A_149 = math.exp %sub3A_148 : vector<16xf32>
      %jit3A_150 = arith.constant 0.000000e+00 : f32
      %broadcast_in_dim3A_151 = vector.broadcast %jit3A_150 : f32 to vector<16xf32>
      %select_n3A_152 = arith.select %or3A_146, %exp3A_149, %broadcast_in_dim3A_151 : vector<16xi1>, vector<16xf32>
      %reduce_sum3A_153 = arith.constant true
      %reduce_sum3A_154 = vector.broadcast %reduce_sum3A_153 : i1 to vector<16xi1>
      %reduce_sum3A_155 = tpu.scan <sum>, %select_n3A_152 masked %reduce_sum3A_154 : vector<16xf32>, vector<16xi1> -> vector<16xf32>
      %reduce_sum3A_156 = vector.extract %reduce_sum3A_155[15] : f32 from vector<16xf32>
      %broadcast_in_dim3A_157 = vector.broadcast %reduce_sum3A_156 : f32 to vector<16xf32>
      %div3A_158 = arith.divf %select_n3A_152, %broadcast_in_dim3A_157 : vector<16xf32>
      %swap3A_159 = arith.index_cast %add3A_122 : i32 to index
      %swap3A_160 = arith.constant 0 : index
      %swap3A_161 = tpu.vector_load %arg5[%swap3A_159, %swap3A_160] {strides = array<i32>} : memref<256x16xf32, #tpu.memory_space<vmem>>, vector<16xf32>,
      tpu.vector_store %arg5[%swap3A_159, %swap3A_160], %div3A_158 {strides = array<i32>} : memref<256x16xf32, #tpu.memory_space<vmem>>, vector<16xf32>,
    }
    %scan3A_7 = arith.constant 64 : i32
    "tpu.region"() ({
      %run_scoped3A = tpu.sem_alloc : memref<!tpu.dma_semaphore, #tpu.memory_space<semaphore_mem>>
      %dma_start3A = arith.constant 0 : i32
      %dma_start3A_8 = tpu.memref_slice %arg3[%mul3A_2, %dma_start3A] : memref<8192x16xf32, #tpu.memory_space<hbm>> -> memref<256x16xf32, #tpu.memory_space<hbm>>
      %dma_start3A_9 = arith.constant 0 : i32
      %dma_start3A_10 = tpu.memref_slice %arg3[%mul3A_2, %dma_start3A_9] : memref<8192x16xf32, #tpu.memory_space<hbm>> -> memref<256x16xf32, #tpu.memory_space<hbm>>
      tpu.enqueue_dma source(%arg5 : memref<256x16xf32, #tpu.memory_space<vmem>>) target(%dma_start3A_10 : memref<256x16xf32, #tpu.memory_space<hbm>>) target_semaphore(%run_scoped3A : memref<!tpu.dma_semaphore, #tpu.memory_space<semaphore_mem>>)
      %dma_wait3A = arith.constant 0 : i32
      %dma_wait3A_11 = tpu.memref_slice %arg3[%mul3A_2, %dma_wait3A] : memref<8192x16xf32, #tpu.memory_space<hbm>> -> memref<256x16xf32, #tpu.memory_space<hbm>>
      %dma_wait3A_12 = arith.constant 0 : i32
      %dma_wait3A_13 = tpu.memref_slice %arg3[%mul3A_2, %dma_wait3A_12] : memref<8192x16xf32, #tpu.memory_space<hbm>> -> memref<256x16xf32, #tpu.memory_space<hbm>>
      tpu.wait_dma2 semaphore(%run_scoped3A : memref<!tpu.dma_semaphore, #tpu.memory_space<semaphore_mem>>) src(%arg5 : memref<256x16xf32, #tpu.memory_space<vmem>>) dst(%dma_wait3A_13 : memref<256x16xf32, #tpu.memory_space<hbm>>)
      tpu.yield
    }) : () -> ()
    return
  }
}

module attributes {stable_mosaic.version = 14 : i64} {
  func.func @_mlp_body(%arg0: i32, %arg1: memref<2048x1024xf32, #tpu.memory_space<vmem>>, %arg2: memref<1024x512xf32, #tpu.memory_space<vmem>>, %arg3: memref<512xf32, #tpu.memory_space<vmem>>, %arg4: memref<512x16xf32, #tpu.memory_space<vmem>>, %arg5: memref<16xf32, #tpu.memory_space<vmem>>, %arg6: memref<2048x16xf32, #tpu.memory_space<vmem>>) attributes {dimension_semantics = [#tpu.dimension_semantics<parallel>], iteration_bounds = array<i64: 4>, scalar_prefetch = 0 : i64, scratch_operands = 0 : i64, tpu.core_type = #tpu.core_type<tc>, window_params = [{transform_indices = @transform_0, window_bounds = array<i64: 2048, 1024>}, {pipeline_mode = #tpu.pipeline_mode<synchronous>, transform_indices = @transform_1, window_bounds = array<i64: 1024, 512>}, {pipeline_mode = #tpu.pipeline_mode<synchronous>, transform_indices = @transform_2, window_bounds = array<i64: 512>}, {pipeline_mode = #tpu.pipeline_mode<synchronous>, transform_indices = @transform_3, window_bounds = array<i64: 512, 16>}, {pipeline_mode = #tpu.pipeline_mode<synchronous>, transform_indices = @transform_4, window_bounds = array<i64: 16>}, {transform_indices = @transform_5, window_bounds = array<i64: 2048, 16>}]} {
    %get3A = arith.constant 0 : index
    %get3A_0 = arith.constant 0 : index
    %get3A_1 = vector.load %arg1[%get3A, %get3A_0] : memref<2048x1024xf32, #tpu.memory_space<vmem>>, vector<2048x1024xf32>
    %get3A_2 = arith.constant 0 : index
    %get3A_3 = arith.constant 0 : index
    %get3A_4 = vector.load %arg2[%get3A_2, %get3A_3] : memref<1024x512xf32, #tpu.memory_space<vmem>>, vector<1024x512xf32>
    %dot_general3A = arith.constant dense<0.000000e+00> : vector<2048x512xf32>
    %dot_general3A_5 = tpu.matmul %get3A_1, %get3A_4, %dot_general3A {dimension_numbers = #tpu.dot_dimension_numbers<[1], [0], [0], [1], [0, 0, 1, 1], [], []>, transpose_lhs_hint = false} : vector<2048x1024xf32>, vector<1024x512xf32>, vector<2048x512xf32> -> vector<2048x512xf32>
    %get3A_6 = arith.constant 0 : index
    %get3A_7 = vector.load %arg3[%get3A_6] : memref<512xf32, #tpu.memory_space<vmem>>, vector<512xf32>
    %broadcast_in_dim3A = vector.shape_cast %get3A_7 : vector<512xf32> to vector<1x512xf32>
    %add3A = vector.broadcast %broadcast_in_dim3A : vector<1x512xf32> to vector<2048x512xf32>
    %add3A_8 = arith.addf %dot_general3A_5, %add3A : vector<2048x512xf32>
    %max3A = arith.constant 0.000000e+00 : f32
    %max3A_9 = vector.broadcast %max3A : f32 to vector<2048x512xf32>
    %max3A_10 = arith.maximumf %add3A_8, %max3A_9 : vector<2048x512xf32>
    %get3A_11 = arith.constant 0 : index
    %get3A_12 = arith.constant 0 : index
    %get3A_13 = vector.load %arg4[%get3A_11, %get3A_12] : memref<512x16xf32, #tpu.memory_space<vmem>>, vector<512x16xf32>
    %dot_general3A_14 = arith.constant dense<0.000000e+00> : vector<2048x16xf32>
    %dot_general3A_15 = tpu.matmul %max3A_10, %get3A_13, %dot_general3A_14 {dimension_numbers = #tpu.dot_dimension_numbers<[1], [0], [0], [1], [0, 0, 1, 1], [], []>, transpose_lhs_hint = false} : vector<2048x512xf32>, vector<512x16xf32>, vector<2048x16xf32> -> vector<2048x16xf32>
    %get3A_16 = arith.constant 0 : index
    %get3A_17 = vector.load %arg5[%get3A_16] : memref<16xf32, #tpu.memory_space<vmem>>, vector<16xf32>
    %broadcast_in_dim3A_18 = vector.shape_cast %get3A_17 : vector<16xf32> to vector<1x16xf32>
    %add3A_19 = vector.broadcast %broadcast_in_dim3A_18 : vector<1x16xf32> to vector<2048x16xf32>
    %add3A_20 = arith.addf %dot_general3A_15, %add3A_19 : vector<2048x16xf32>
    %swap3A = arith.constant 0 : index
    %swap3A_21 = arith.constant 0 : index
    %swap3A_22 = vector.load %arg6[%swap3A, %swap3A_21] : memref<2048x16xf32, #tpu.memory_space<vmem>>, vector<2048x16xf32>
    tpu.vector_store %arg6[%swap3A, %swap3A_21], %add3A_20 {strides = array<i32>} : memref<2048x16xf32, #tpu.memory_space<vmem>>, vector<2048x16xf32>,
    return
  }
  func.func @transform_0(%arg0: i32) -> (i32, i32) {
    %c0_i32 = arith.constant 0 : i32
    %c0_i32_0 = arith.constant 0 : i32
    return %arg0, %c0_i32 : i32, i32
  }
  func.func @transform_1(%arg0: i32) -> (i32, i32) {
    %c0_i32 = arith.constant 0 : i32
    %c0_i32_0 = arith.constant 0 : i32
    %c0_i32_1 = arith.constant 0 : i32
    return %c0_i32, %c0_i32_0 : i32, i32
  }
  func.func @transform_2(%arg0: i32) -> i32 {
    %c0_i32 = arith.constant 0 : i32
    %c0_i32_0 = arith.constant 0 : i32
    return %c0_i32 : i32
  }
  func.func @transform_3(%arg0: i32) -> (i32, i32) {
    %c0_i32 = arith.constant 0 : i32
    %c0_i32_0 = arith.constant 0 : i32
    %c0_i32_1 = arith.constant 0 : i32
    return %c0_i32, %c0_i32_0 : i32, i32
  }
  func.func @transform_4(%arg0: i32) -> i32 {
    %c0_i32 = arith.constant 0 : i32
    %c0_i32_0 = arith.constant 0 : i32
    return %c0_i32 : i32
  }
  func.func @transform_5(%arg0: i32) -> (i32, i32) {
    %c0_i32 = arith.constant 0 : i32
    %c0_i32_0 = arith.constant 0 : i32
    return %arg0, %c0_i32 : i32, i32
  }
}

</mosaic_0001>

<sc_bundles>
// kernel: kernel.4.cloned.1.call-start
scs
__scs_entry_jumppad:
0x0: {  	(pc) =	sbr.rel $0x88, $3  }
0x1: {  	(tag) =	ssettag $0x0;
	lr =	simm.s32 $0x1  }
0x2: {  	[smem:$0x3F9C] =	sst lr;
	_ =	strace $0xD0000000  }
0x3: {  	_ = 	snop  }
0x4: {  	_ = 	snop  }
0x5: {  	_ = 	snop  }
0x6: {  	_ = 	snop  }
0x7: {  	_ = 	snop  }
__scs_overlays_trampoline_lowered:
0x8: {  	[smem:$0x3FAB] =	sst s0  }
0x9: {  	[smem:$0x3FAC] =	sst s1  }
0xa: {  	[smem:$0x3FAD] =	sst s2  }
0xb: {  	[smem:$0x3FAE] =	sst s3  }
0xc: {  	[smem:$0x3FAF] =	sst s4  }
0xd: {  	[smem:$0x3FB0] =	sst s5  }
0xe: {  	[smem:$0x3FB1] =	sst s6  }
0xf: {  	[smem:$0x3FB2] =	sst s7  }
0x10: {  	[smem:$0x3FB3] =	sst s8  }
0x11: {  	[smem:$0x3FB4] =	sst s9;
	s0 =	simm.s32 @!p0 $0x0  }
0x12: {  	s1 =	sld [smem:$0x3F9A];
	s0 =	simm.s32 @p0 $0x1  }
0x13: {  	[smem:$0x3FB5] =	sst s0;
	s0 =	simm.s32 @!p1 $0x0  }
0x14: {  	s2 =	sld [smem:$0x3F99];
	s0 =	simm.s32 @p1 $0x1  }
0x15: {  	[smem:$0x3FB6] =	sst s0;
	s0 =	simm.s32 @!p2 $0x0  }
0x16: {  	s3 =	sld [smem:$0x3FDB];
	s0 =	simm.s32 @p2 $0x1  }
0x17: {  	s4 =	simm.s32 $0x1BF5;
	[smem:$0x3FB8] =	sst s0  }
0x18: {  	s0 =	sld [smem:$0x3F9B];
	_ =	swait.ge [sflag:s4], $0x0  }
0x19: {  	s7 =	sld [smem:$0x3F9C]  }
0x1a: {  	s8 =	sadd.s32 $0xFFFFE003, lr  }
0x1b: {  	s9 =	sadd.s32 $0xFFFFFEF7, lr;
	s5 =	simm.s32 $0xFFFFFFFF;
	p2 =	slt.u32 s8, $0xFFFFF086  }
0x1c: {  	p1 =	slt.u32 s9, $0xF7A;
	s5 =	simm.s32 @!p2 $0x0  }
0x1d: {  	s5 =	simm.s32 @p1 $0x1;
	p0 =	seq.s32 s7, s2  }
0x1e: {  	s7 =	smul.u32 @!p0 $0xF7A, s2;
	p2 =	seq.s32 @!p0 s5, $0x0  }
0x1f: {  	s9 =	smul.u32 $0xF7A, s1;
	s8 =	simm.s32 @!p0 $0x1BF5;
	p2 =	por !p2, p0  }
0x20: {  	[sflag:s8] =	ssyncset.s32 @!p0 $0xFFFFF086;
	s6 =	sadd.s32 @!p0 s3, s7;
	s7 =	simm.s32 @!p0 $0x108  }
0x21: {  	s3 =	sadd.s32 s3, s9;
	s6 =	sadd.s32 @!p0 $0x88, s6;
	s7 =	simm.s32 @p2 $0x1082  }
0x22: {  	[simem:s7], [sflag:s8] =	dma.local @!p0 [hbm:s6], $0xF7A  }
0x23: {  	s9 =	sor.u32 $0xD0000000, s2;
	s6 =	simm.s32 $0x108;
	_ =	swait.ge @!p0 [sflag:s8], $0x0  }
0x24: {  	s3 =	sadd.s32 $0x88, s3;
	s6 =	simm.s32 @!p1 $0x1082;
	[sflag:s4] =	ssyncset.s32 $0xFFFFF086  }
0x25: {  	[simem:s6], [sflag:s4] =	dma.local [hbm:s3], $0xF7A  }
0x26: {  	[smem:$0x3F9C] =	sst s1;
	(tag) =	ssettag s2;
	_ =	strace s9  }
0x27: {  	s1 =	sld [smem:$0x3FAC]  }
0x28: {  	s2 =	sld [smem:$0x3FAD]  }
0x29: {  	s4 =	sld [smem:$0x3FAF]  }
0x2a: {  	p0 =	seq.s32 s5, $0x0;
	s5 =	sld [smem:$0x3FB0]  }
0x2b: {  	s6 =	sld [smem:$0x3FB1]  }
0x2c: {  	s7 =	sld [smem:$0x3FB2]  }
0x2d: {  	s3 =	simm.s32 $0x108;
	s8 =	sld [smem:$0x3FB3]  }
0x2e: {  	s3 =	simm.s32 @!p0 $0x1082;
	s9 =	sld [smem:$0x3FB4]  }
0x2f: {  	lr =	sadd.s32 s0, s3;
	s0 =	sld [smem:$0x3FAB]  }
0x30: {  	s3 =	sld [smem:$0x3FAE]  }
0x31: {  	[smem:$0x3FB7] =	sst s10  }
0x32: {  	s10 =	sld [smem:$0x3FB5];
	_ =	sdelay $0x3  }
0x33: {  	p0 =	seq.s32 s10, $0x1;
	s10 =	sld [smem:$0x3FB7];
	_ =	sdelay $0x3  }
0x34: {  	[smem:$0x3FB7] =	sst s10  }
0x35: {  	s10 =	sld [smem:$0x3FB6];
	_ =	sdelay $0x3  }
0x36: {  	p1 =	seq.s32 s10, $0x1;
	s10 =	sld [smem:$0x3FB7];
	_ =	sdelay $0x3  }
0x37: {  	[smem:$0x3FB7] =	sst s10  }
0x38: {  	s10 =	sld [smem:$0x3FB8]  }
0x39: {  	_ = 	snop;
	(pc) =	sbr.ind lr, $3  }
0x3a: {  	_ = 	snop  }
0x3b: {  	_ = 	snop  }
0x3c: {  	p2 =	seq.s32 s10, $0x1;
	s10 =	sld [smem:$0x3FB7]  }
0x3d: {  	_ =	shalt  }
0x3e: {  	_ =	shalt  }
0x3f: {  	_ =	shalt  }
0x40: {  	_ =	shalt  }
0x41: {  	_ =	shalt  }
0x42: {  	_ =	shalt  }
0x43: {  	_ =	shalt  }
0x44: {  	_ =	shalt  }
0x45: {  	_ =	shalt  }
0x46: {  	_ =	shalt  }
0x47: {  	_ =	shalt  }
0x48: {  	_ =	shalt  }
0x49: {  	_ =	shalt  }
0x4a: {  	_ =	shalt  }
0x4b: {  	_ =	shalt  }
0x4c: {  	_ =	shalt  }
0x4d: {  	_ =	shalt  }
0x4e: {  	_ =	shalt  }
0x4f: {  	_ =	shalt  }
0x50: {  	_ =	shalt  }
0x51: {  	_ =	shalt  }
0x52: {  	_ =	shalt  }
0x53: {  	_ =	shalt  }
0x54: {  	_ =	shalt  }
0x55: {  	_ =	shalt  }
0x56: {  	_ =	shalt  }
0x57: {  	_ =	shalt  }
0x58: {  	_ =	shalt  }
0x59: {  	_ =	shalt  }
0x5a: {  	_ =	shalt  }
0x5b: {  	_ =	shalt  }
0x5c: {  	_ =	shalt  }
0x5d: {  	_ =	shalt  }
0x5e: {  	_ =	shalt  }
0x5f: {  	_ =	shalt  }
0x60: {  	_ =	shalt  }
0x61: {  	_ =	shalt  }
0x62: {  	_ =	shalt  }
0x63: {  	_ =	shalt  }
0x64: {  	_ =	shalt  }
0x65: {  	_ =	shalt  }
0x66: {  	_ =	shalt  }
0x67: {  	_ =	shalt  }
0x68: {  	_ =	shalt  }
0x69: {  	_ =	shalt  }
0x6a: {  	_ =	shalt  }
0x6b: {  	_ =	shalt  }
0x6c: {  	_ =	shalt  }
0x6d: {  	_ =	shalt  }
0x6e: {  	_ =	shalt  }
0x6f: {  	_ =	shalt  }
0x70: {  	_ =	shalt  }
0x71: {  	_ =	shalt  }
0x72: {  	_ =	shalt  }
0x73: {  	_ =	shalt  }
0x74: {  	_ =	shalt  }
0x75: {  	_ =	shalt  }
0x76: {  	_ =	shalt  }
0x77: {  	_ =	shalt  }
0x78: {  	_ =	shalt  }
0x79: {  	_ =	shalt  }
0x7a: {  	_ =	shalt  }
0x7b: {  	_ =	shalt  }
0x7c: {  	_ =	shalt  }
0x7d: {  	_ =	shalt  }
0x7e: {  	_ =	shalt  }
0x7f: {  	_ =	shalt  }
0x80: {  	_ =	shalt  }
0x81: {  	_ =	shalt  }
0x82: {  	_ =	shalt  }
0x83: {  	_ =	shalt  }
0x84: {  	_ =	shalt  }
0x85: {  	_ =	shalt  }
0x86: {  	_ =	shalt  }
0x87: {  	_ =	shalt  }
.Lfunc_end0:
.L_simem_size_0:
called_computation_lowered:
.L_overlay_start_0:
0x88: {  	s2 =	sld [smem:$0x3FD9]  }
0x89: {  	s3 =	sld [smem:$0x3FFE];
	_ =	sdelay $0x1  }
0x8a: {  	s1 =	srdreg.scid  }
0x8b: {  	s0 =	sand.u32 $0x1, s1  }
0x8c: {  	s16 =	sshll.u32 s0, $0xA;
	s2 =	sadd.s32 s3, s2  }
0x8d: {  	s2 =	sadd.s32 s2, s16  }
0x8e: {  	[smem:$0x3FC3] =	sst s2  }
0x8f: {  	_ = 	snop  }
0x90: {  	(tm) =	ssettm $0x1  }
0x91: {  	s17 =	sld [smem:$0x3FFB];
	_ =	sdelay $0x3  }
0x92: {  	_ =	strace s17  }
0x93: {  	s2 =	sld [smem:$0x3FFC];
	_ =	sdelay $0x3  }
0x94: {  	_ =	strace s2  }
0x95: {  	s2 =	sld [smem:$0x3FFD];
	_ =	sdelay $0x3  }
0x96: {  	_ =	strace s2  }
0x97: {  	_ =	strace $0x8FFFFFFF  }
0x98: {  	s18 =	sld [smem:$0x3FDB];
	_ =	sdelay $0x1  }
0x99: {  	s19 =	simm.s32 $_scs_section_size  }
0x9a: {  	s4 =	simm.s32 $_size__tile_overlayer_lowered;
	s5 =	simm.s32 $_tile_overlayer_lowered  }
0x9b: {  	s22 =	simm.s32 $0x1BFF;
	s21 =	sshll.u32 s5, $0x1;
	s2 =	sadd.s32 s19, s18  }
0x9c: {  	s6 =	simm.s32 $0x0;
	s20 =	sshll.u32 s4, $0x1;
	s4 =	sadd.s32 s21, s2  }
0x9d: {  	[timem:s6], [sflag:s22] =	dma.local [hbm:s4], s20  }
0x9e: {  	_ =	swait.ge [sflag:s22], s20  }
0x9f: {  	s3 =	ssub.s32 $0x0, s20;
	[sflag:s22] =	ssyncset.done $0x0  }
0xa0: {  	[sflag:s22] =	ssyncadd.s32 s3;
	_ =	sdelay $0x1  }
0xa1: {  	s23 =	simm.s32 $0x1B8B  }
0xa2: {  	_ =	swait.ge [sflag:s23], $0x1  }
0xa3: {  	[sflag:s23] =	ssyncset.done $0x0  }
0xa4: {  	s25 =	simm.s32 $0x1B8E;
	s24 =	sld [smem:$0x3FFE];
	[sflag:s23] =	ssyncadd.s32 $0xFFFFFFFF  }
0xa5: {  	s26 =	simm.s32 $execute0_lowered;
	[smem:$0x3FD2] =	sst s25  }
0xa6: {  	s4 =	sshll.u32 s26, $0x1;
	_ =	strace $0x80000046;
	[dreg:$0x1] =	wrdreg $0xFFFFFFFF  }
0xa7: {  	s28 =	simm.s32 $_size_execute0_lowered;
	s2 =	sadd.s32 s2, s4;
	[dreg:$0x0] =	wrdreg $0x0  }
0xa8: {  	s4 =	sshll.u32 s28, $0x1;
	[dreg:$0x2] =	wrdreg s2  }
0xa9: {  	[dreg:$0x3] =	wrdreg s4  }
0xaa: {  	[dreg:$0x4] =	wrdreg $0xC0  }
0xab: {  	_ =	task [dreg:s6], $0x5FFFF  }
0xac: {  	[dreg:$0x1] =	wrdreg $0xFFFFFFFF  }
0xad: {  	[dreg:$0x0] =	wrdreg $0x60  }
0xae: {  	[dreg:$0x2] =	wrdreg s24  }
0xaf: {  	[dreg:$0x3] =	wrdreg $0x9  }
0xb0: {  	_ =	task.clear_ibuf [dreg:s6], $0x4FFFF;
	_ =	strace $0x90000046  }
0xb1: {  	s29 =	simm.s32 $0x9;
	_ =	strace $0x80000048  }
0xb2: {  	_ =	swait.ge [sflag:s29], $0x1  }
0xb3: {  	[sflag:s29] =	ssyncadd.s32 $0xFFFFFFFF  }
0xb4: {  	_ =	strace $0x90000048  }
0xb5: {  	_ =	sfence  }
0xb6: {  	s30 =	sld [smem:$0x0];
	_ =	sdelay $0x2  }
0xb7: {  	s31 =	sshll.u32 s1, $0xD;
	s1 =	sshrl.u32 s1, $0x2  }
0xb8: {  	s3 =	sand.u32 $0x4000, s31;
	s1 =	sadd.s32 s1, s30  }
0xb9: {  	s0 =	sor.u32 s3, s0;
	s1 =	sshll.u32 s1, $0x11  }
0xba: {  	s0 =	sor.u32 s1, s0  }
0xbb: {  	s0 =	sadd.s32 $0x8F2B, s0  }
0xbc: {  	[sflag:s0] =	ssyncadd.remote.s32 $0x1  }
0xbd: {  	_ =	sfence.sel $0xFFFF  }
0xbe: {  	[dreg:$0x0] =	wrdreg $0xFFFFFFFF;
	(pc) =	sbr.abs _section_cstart, $3  }
0xbf: {  	[dreg:$0x1] =	wrdreg $0xFFFFFFFF  }
0xc0: {  	_ =	task.clear_ibuf [dreg:s6], $0x2FFFF;
	_ =	strace $0x9FFFFFFF  }
0xc1: {  	(tm) =	ssettm $0x7FFFFFFF  }
tec
execute0_lowered:
.L_overlay_start_1:
0x0: {  	(tag) =	ssettag $0x1  }
0x1: {  	s3 =	rddreg [dreg:$0x0]  }
0x2: {  	s0 =	rddreg [dreg:$0x1];
	s4 =	srdreg.scid  }
0x3: {  	s2 =	simm.s32 $0x0;
	s1 =	stileid.u32;
	s4 =	sand.u32 $0x1, s4  }
0x4: {  	s7 =	simm.s32 $0x8000;
	s5 =	sshll.u32 s1, $0xD;
	s6 =	sshll.u32 s4, $0xC  }
0x5: {  	s8 =	simm.s32 $0x0;
	s4 =	ssub.s32 $0x2, s4;
	s5 =	sor.u32 s6, s5  }
0x6: {  	[smem:$0x7FF] =	sst s2;
	s31 =	sshrl.u32 s4, $0x1;
	s5 =	sadd.s32 s5, s3  }
0x7: {  	_ =	strace $0x80000047;
	s6 =	ssub.s32 s4, s31;
	s3 =	sadd.s32 $0xC00, s5  }
0x8: {  	v0 =	vlaneseq.u32;
	s4 =	sadd.s32 $0x20C00, s5;
	s5 =	smax.u32 s6, $0x1;
	s6 =	simm.s32 $0x1  }
.LBB2_1:
0x9: {  	[tilespmem:s2], [sflag:$0x1] =	stream.linear.gather [hbm4b:s3+s2], $0x8000, $0x38;
	[tilespmem:$0x10000] =	vst v63  }
0xa: {  	_ =	swait.ge [sflag:s6], $0x8000  }
0xb: {  	[sflag:s6] =	ssyncset.done $0x0  }
0xc: {  	s9 =	simm.s32 $0x0;
	[sflag:s6] =	ssyncadd.s32 $0xFFFF8000  }
0xd: {  	v1 =	vld [tilespmem:s9+$0x80]  }
0xe: {  	v2 =	vld [tilespmem:s9+$0x0]  }
0xf: {  	v3 =	vld [tilespmem:s9+$0x100];
	_ =	sdelay $0x2  }
0x10: {  	v4 =	vld [tilespmem:s9+$0x180];
	(xrf0) =	vmax.scan.msk.f32 $0xffff, v1  }
0x11: {  	(xrf0) =	vmax.scan.msk.f32 $0xffff, v2  }
0x12: {  	(xrf0) =	vmax.scan.msk.f32 $0xffff, v3;
	_ =	sdelay $0x2  }
0x13: {  	(xrf0) =	vmax.scan.msk.f32 $0xffff, v4  }
0x14: {  	v5, _, _ =	vpop (xrf0)  }
0x15: {  	v6, _, _ =	vpop (xrf0)  }
0x16: {  	v5 =	vbroadcast v5, $0xF;
	v7, _, _ =	vpop (xrf0)  }
0x17: {  	v7 =	vbroadcast v7, $0xF  }
0x18: {  	vm0 =	veq.f32 v1, v5  }
0x19: {  	v8, _, _ =	vpop (xrf0);
	v9 =	vmctz.xlane vm0;
	vm0 =	veq.f32 v3, v7  }
0x1a: {  	v8 =	vbroadcast v8, $0xF;
	v10 =	vmctz.xlane vm0  }
0x1b: {  	vm0 =	veq.s32 v9, v0  }
0x1c: {  	s10 =	simm.s32 $0x200;
	vm1 =	veq.f32 v4, v8;
	v9 =	vsel vm0, $0xFF61B1E6, v1;
	vm3 =	veq.s32 v10, v0  }
0x1d: {  	v12 =	vld [tilespmem:s10+$0x80];
	v10 =	vmctz.xlane vm1;
	(xrf0) =	vmax.scan.msk.f32 $0xffff, v9;
	v11 =	vsel vm3, $0xFF61B1E6, v3  }
0x1e: {  	v13 =	vld [tilespmem:s10+$0x0];
	v1 =	vsub.f32 v1, v5;
	v3 =	vsub.f32 v3, v7;
	(xrf0) =	vmax.scan.msk.f32 $0xffff, v11  }
0x1f: {  	v7 =	vld [tilespmem:s10+$0x100];
	vm2 =	veq.s32 v10, v0  }
0x20: {  	v1 =	vmul.f32 $1.442695020e+00, v1;
	v5 =	vsel vm2, $0xFF61B1E6, v4;
	v3 =	vmul.f32 $1.442695020e+00, v3  }
0x21: {  	(xrf0) =	vmax.scan.msk.f32 $0xffff, v5  }
0x22: {  	(xrf0) =	vmax.scan.msk.f32 $0xffff, v12;
	(erf) = vpow2.f32 v3;
	v3 =	vld [tilespmem:s10+$0x180]  }
0x23: {  	v6 =	vbroadcast v6, $0xF;
	v10, _, _ =	vpop (xrf0);
	(xrf0) =	vmax.scan.msk.f32 $0xffff, v13  }
0x24: {  	(erf) = vpow2.f32 v1;
	v1, _, _ =	vpop (xrf0);
	(xrf0) =	vmax.scan.msk.f32 $0xffff, v7  }
0x25: {  	vm1 =	veq.f32 v2, v6;
	v10 =	vbroadcast v10, $0xF;
	v1 =	vbroadcast v1, $0xF  }
0x26: {  	v14 =	vmctz.xlane vm1;
	v4 =	vsub.f32 v4, v8  }
0x27: {  	vm5 =	veq.f32 v9, v10;
	v8, _, _ =	vpop (xrf0);
	(xrf0) =	vmax.scan.msk.f32 $0xffff, v3;
	vm4 =	veq.f32 v11, v1;
	v1 =	vsub.f32 v2, v6  }
0x28: {  	vm1 =	veq.s32 v14, v0;
	v10 =	vmctz.xlane vm5;
	v9, _, _ =	vpop (xrf0);
	v6 =	vmctz.xlane vm4  }
0x29: {  	v4 =	vmul.f32 $1.442695020e+00, v4;
	v2 =	vsel vm1, $0xFF61B1E6, v2;
	v11, _, _ =	vpop (xrf0);
	v1 =	vmul.f32 $1.442695020e+00, v1  }
0x2a: {  	v8 =	vbroadcast v8, $0xF;
	vm4 =	veq.s32 v6, v0;
	v6 =	vbroadcast v9, $0xF;
	v9, _, _ =	vpop (xrf0)  }
0x2b: {  	vm5 =	veq.s32 v10, v0;
	v9 =	vbroadcast v9, $0xF;
	(erf) = vpow2.f32 v1  }
0x2c: {  	(xrf0) =	vmax.scan.msk.f32 $0xffff, v2;
	v10 =	vpop (erf);
	vm3 =	vmor vm3, vm4;
	vm4 =	veq.f32 v12, v6;
	(erf) = vpow2.f32 v4  }
0x2d: {  	v21 =	vnsel vm3, $0x0, v10;
	v10, _, _ =	vpop (xrf0);
	v4 =	vmctz.xlane vm4;
	vm4 =	veq.f32 v7, v9  }
0x2e: {  	vm0 =	vmor vm0, vm5;
	vm5 =	vmmov vm2;
	v1 =	vpop (erf);
	v14 =	vmctz.xlane vm4  }
0x2f: {  	v10 =	vbroadcast v10, $0xF;
	v1 =	vnsel vm0, $0x0, v1;
	vm0 =	veq.s32 v4, v0  }
0x30: {  	v6 =	vsub.f32 v12, v6;
	(xrf2) =	vadd.scan.msk.f32 $0xffff, v21;
	v15 =	vsel vm0, $0xFF61B1E6, v12;
	vm2 =	veq.s32 v14, v0  }
0x31: {  	v4 =	vsub.f32 v7, v9;
	vm3 =	veq.f32 v3, v10;
	v7 =	vsel vm2, $0xFF61B1E6, v7;
	(xrf0) =	vmax.scan.msk.f32 $0xffff, v15  }
0x32: {  	v11 =	vbroadcast v11, $0xF;
	v9, _, _ =	vpop (xrf0);
	v12 =	vmctz.xlane vm3;
	(xrf0) =	vmax.scan.msk.f32 $0xffff, v7  }
0x33: {  	vm6 =	veq.f32 v5, v8;
	v6 =	vmul.f32 $1.442695020e+00, v6;
	(xrf2) =	vadd.scan.msk.f32 $0xffff, v1;
	v4 =	vmul.f32 $1.442695020e+00, v4  }
0x34: {  	s11 =	simm.s32 $0x400;
	vm3 =	veq.f32 v13, v11;
	v9 =	vbroadcast v9, $0xF;
	vm4 =	veq.s32 v12, v0  }
0x35: {  	v14 =	vmctz.xlane vm3;
	v12 =	vld [tilespmem:s11+$0x80];
	v22 =	vsel vm4, $0xFF61B1E6, v3;
	(erf) = vpow2.f32 v4  }
0x36: {  	v5 =	vld [tilespmem:s11+$0x0];
	v8 =	vpop (erf);
	(erf) = vpow2.f32 v6;
	v6 =	vmctz.xlane vm6;
	(xrf0) =	vmax.scan.msk.f32 $0xffff, v22  }
0x37: {  	vm3 =	veq.s32 v14, v0;
	v14 =	vld [tilespmem:s11+$0x100];
	vm6 =	veq.f32 v2, v9;
	v2, _, _ =	vpop (xrf0)  }
0x38: {  	vm1 =	vmmov vm1;
	v3 =	vsub.f32 v3, v10;
	v10, _, _ =	vpop (xrf0)  }
0x39: {  	v9 =	vmctz.xlane vm6;
	vm6 =	veq.s32 v6, v0;
	v10 =	vbroadcast v10, $0xF  }
0x3a: {  	v11 =	vsub.f32 v13, v11;
	v23 =	vsel vm3, $0xFF61B1E6, v13;
	(xrf0) =	vmax.scan.msk.f32 $0xffff, v12;
	vm5 =	vmor vm5, vm6;
	v6, _, _ =	vpop (xrf2)  }
0x3b: {  	v16 =	vpop (erf);
	v17 =	vbroadcast v2, $0xF;
	(xrf0) =	vmax.scan.msk.f32 $0xffff, v5;
	v6 =	vbroadcast v6, $0xF;
	vm7 =	veq.f32 v7, v10  }
0x3c: {  	v4 =	vld [tilespmem:s11+$0x180];
	vm6 =	veq.s32 v9, v0;
	v2 =	vnsel vm5, $0x0, v16;
	(xrf0) =	vmax.scan.msk.f32 $0xffff, v14;
	v16, _, _ =	vpop (xrf0);
	v10 =	vmctz.xlane vm7  }
0x3d: {  	vm1 =	vmor vm1, vm6;
	vm5 =	veq.f32 v15, v17;
	v7, _, _ =	vpop (xrf2);
	(erf) = vrcp.f32 v6  }
0x3e: {  	v13 =	vmul.f32 $1.442695020e+00, v3;
	(xrf2) =	vadd.scan.msk.f32 $0xffff, v2;
	v3 =	vnsel vm1, $0x0, v8;
	v9 =	vmctz.xlane vm5;
	v8 =	vpop (erf)  }
0x3f: {  	v24 =	vbroadcast v16, $0xF;
	v7 =	vbroadcast v7, $0xF;
	v6 =	vpop (erf)  }
0x40: {  	(xrf2) =	vadd.scan.msk.f32 $0xffff, v3;
	vm5 =	veq.s32 v9, v0;
	v9 =	vmul.f32 $1.442695020e+00, v11;
	vm1 =	veq.s32 v10, v0;
	v10, _, _ =	vpop (xrf0)  }
0x41: {  	(xrf0) =	vmax.scan.msk.f32 $0xffff, v4;
	vm0 =	vmor vm0, vm5;
	(erf) = vrcp.f32 v7;
	vm2 =	vmor vm2, vm1;
	v11, _, _ =	vpop (xrf0)  }
0x42: {  	(erf) = vpow2.f32 v9;
	v7 =	vnsel vm2, $0x0, v8;
	v10 =	vbroadcast v10, $0xF;
	v8, _, _ =	vpop (xrf0)  }
0x43: {  	v6 =	vnsel vm0, $0x0, v6;
	(erf) = vpow2.f32 v13;
	(xrf0) =	vmax.scan.msk.f32 $0xffff, v23;
	v8 =	vbroadcast v8, $0xF  }
0x44: {  	vm2 =	vmmov vm3;
	(xrf2) =	vadd.scan.msk.f32 $0xffff, v7;
	v9 =	vbroadcast v11, $0xF;
	vm0 =	veq.f32 v12, v10  }
0x45: {  	v11 =	vsub.f32 v12, v10;
	vm3 =	veq.f32 v14, v8;
	v8 =	vsub.f32 v14, v8  }
0x46: {  	v13 =	vmctz.xlane vm0;
	v25 =	vpop (erf)  }
0x47: {  	vm6 =	veq.f32 v22, v24;
	vm1 =	vmmov vm4;
	v10, _, _ =	vpop (xrf0);
	v18 =	vmul.f32 $1.442695020e+00, v11  }
0x48: {  	v15 =	vbroadcast v10, $0xF;
	v10, _, _ =	vpop (xrf2);
	vm0 =	veq.s32 v13, v0;
	v13 =	vmctz.xlane vm3  }
0x49: {  	(xrf2) =	vadd.scan.msk.f32 $0xffff, v6;
	v16 =	vbroadcast v10, $0xF;
	v10 =	vsel vm0, $0xFF61B1E6, v12;
	v17 =	vmul.f32 $1.442695020e+00, v8;
	v8, _, _ =	vpop (xrf0)  }
0x4a: {  	v12, _, _ =	vpop (xrf2);
	vm5 =	veq.f32 v4, v15;
	vm3 =	veq.s32 v13, v0;
	v8 =	vbroadcast v8, $0xF  }
0x4b: {  	v11 =	vpop (erf);
	v20 =	vbroadcast v12, $0xF;
	v19 =	vmctz.xlane vm5;
	v13 =	vsel vm3, $0xFF61B1E6, v14;
	(xrf0) =	vmax.scan.msk.f32 $0xffff, v10  }
0x4c: {  	s12 =	simm.s32 $0x1800;
	vm4 =	veq.f32 v5, v9;
	v12 =	vmul.f32 v25, v21;
	v14 =	vpop (erf);
	(xrf0) =	vmax.scan.msk.f32 $0xffff, v13;
	vm7 =	veq.f32 v23, v8  }
.LBB2_2:
0x4d: {  	s13 =	sshra.s32 s12, $0x2;
	p0 =	sne.s32 s12, $0x1F800;
	s12 =	sadd.s32 $0x800, s12;
	v21 =	vmctz.xlane vm4;
	vm5 =	veq.s32 v19, v0;
	v19 =	vpop (erf);
	(erf) = vrcp.f32 v20  }
0x4e: {  	v11 =	vmul.f32 v11, v1;
	v20 =	vld [tilespmem:s13+$0x0];
	v8 =	vsel vm5, $0xFF61B1E6, v4;
	v22, _, _ =	vpop (xrf2);
	(erf) = vrcp.f32 v16  }
0x4f: {  	v1 =	vmovc v6;
	v23 =	vld [tilespmem:s13+$0x80];
	vm4 =	veq.s32 v21, v0;
	(erf) = vpow2.f32 v17;
	(xrf0) =	vmax.scan.msk.f32 $0xffff, v8;
	[tilespmem:s9+$0x8100] =	vst v12  }
0x50: {  	v24 =	vmovc v7;
	v16 =	vsub.f32 v4, v15;
	v12 =	vld [tilespmem:s13+$0x100];
	v21 =	vsel vm4, $0xFF61B1E6, v5;
	(erf) = vpow2.f32 v18;
	[tilespmem:s9+$0x8080] =	vst v11  }
0x51: {  	v7 =	vsub.f32 v5, v9;
	v9 =	vmctz.xlane vm7;
	v17 =	vmctz.xlane vm6;
	v4 =	vld [tilespmem:s13+$0x180];
	v5, _, _ =	vpop (xrf0)  }
0x52: {  	v15 =	vmul.f32 $1.442695020e+00, v16;
	v18 =	vbroadcast v5, $0xF;
	v6, _, _ =	vpop (xrf0)  }
0x53: {  	v16 =	vbroadcast v22, $0xF;
	vm6 =	veq.s32 v17, v0;
	v6 =	vbroadcast v6, $0xF;
	v11, _, _ =	vpop (xrf2)  }
0x54: {  	vm8 =	veq.s32 v9, v0;
	vm1 =	vmor vm1, vm6;
	v5 =	vmovc v20;
	(xrf0) =	vmax.scan.msk.f32 $0xffff, v23;
	vm7 =	veq.f32 v10, v18  }
0x55: {  	vm2 =	vmor vm2, vm8;
	(xrf0) =	vmax.scan.msk.f32 $0xffff, v5;
	vm6 =	veq.f32 v13, v6;
	v10, _, _ =	vpop (xrf0);
	v6 =	vnsel vm1, $0x0, v19  }
0x56: {  	v14 =	vnsel vm2, $0x0, v14;
	v20 =	vmctz.xlane vm7;
	v19 =	vmctz.xlane vm6;
	(xrf2) =	vadd.scan.msk.f32 $0xffff, v6;
	v17 =	vpop (erf)  }
0x57: {  	v11 =	vbroadcast v11, $0xF;
	(xrf0) =	vmax.scan.msk.f32 $0xffff, v12;
	v17 =	vmul.f32 v17, v3;
	v18 =	vpop (erf);
	v3 =	vmov v14  }
0x58: {  	(xrf0) =	vmax.scan.msk.f32 $0xffff, v4;
	vm1 =	veq.s32 v19, v0;
	v13 =	vpop (erf);
	(erf) = vrcp.f32 v16;
	v18 =	vmul.f32 v18, v2  }
0x59: {  	vm2 =	veq.s32 v20, v0;
	vm3 =	vmor vm3, vm1;
	v9 =	vpop (erf);
	(xrf2) =	vadd.scan.msk.f32 $0xffff, v3;
	[tilespmem:s9+$0x8000] =	vst v17  }
0x5a: {  	v16 =	vmul.f32 $1.442695020e+00, v7;
	vm0 =	vmor vm0, vm2;
	v2 =	vmov v6;
	v14, _, _ =	vpop (xrf0);
	[tilespmem:s9+$0x8180] =	vst v18;
	s9 =	smov.u32 s10;
	s10 =	smov.u32 s11;
	s11 =	smov.u32 s13  }
0x5b: {  	vm1 =	vmmov vm5;
	v6 =	vnsel vm0, $0x0, v9;
	v17, _, _ =	vpop (xrf0);
	(erf) = vrcp.f32 v11  }
0x5c: {  	v7 =	vnsel vm3, $0x0, v13;
	v11 =	vbroadcast v14, $0xF;
	(xrf0) =	vmax.scan.msk.f32 $0xffff, v21;
	(erf) = vpow2.f32 v16  }
0x5d: {  	vm2 =	vmmov vm4;
	v9 =	vbroadcast v17, $0xF;
	v13, _, _ =	vpop (xrf0);
	(xrf2) =	vadd.scan.msk.f32 $0xffff, v7;
	(erf) = vpow2.f32 v15  }
0x5e: {  	vm0 =	veq.f32 v23, v11;
	v11 =	vsub.f32 v23, v11;
	v13 =	vbroadcast v13, $0xF;
	v14, _, _ =	vpop (xrf0)  }
0x5f: {  	vm4 =	veq.f32 v5, v9;
	v16 =	vmctz.xlane vm0;
	v15 =	vbroadcast v14, $0xF  }
0x60: {  	v14 =	vbroadcast v10, $0xF;
	vm3 =	veq.f32 v12, v13;
	v19 =	vsub.f32 v12, v13;
	v10, _, _ =	vpop (xrf2)  }
.Ltmp0:
0x61: {  	vm0 =	veq.s32 v16, v0;
	v18 =	vmctz.xlane vm3;
	v16 =	vbroadcast v10, $0xF;
	v22 =	vpop (erf);
	(pc) =	sbr.rel @p0 .LBB2_2-.Ltmp0, $4  }
0x62: {  	v10 =	vsel vm0, $0xFF61B1E6, v23;
	vm5 =	veq.f32 v4, v15;
	v17 =	vmul.f32 $1.442695020e+00, v19;
	v13, _, _ =	vpop (xrf0);
	(xrf2) =	vadd.scan.msk.f32 $0xffff, v6  }
0x63: {  	v19 =	vmctz.xlane vm5;
	vm3 =	veq.s32 v18, v0;
	v23 =	vbroadcast v13, $0xF;
	v20, _, _ =	vpop (xrf2)  }
0x64: {  	v18 =	vmul.f32 $1.442695020e+00, v11;
	v13 =	vsel vm3, $0xFF61B1E6, v12;
	(xrf0) =	vmax.scan.msk.f32 $0xffff, v10;
	v20 =	vbroadcast v20, $0xF;
	v11 =	vpop (erf)  }
0x65: {  	vm6 =	veq.f32 v8, v14;
	v12 =	vmul.f32 v22, v24;
	(xrf0) =	vmax.scan.msk.f32 $0xffff, v13;
	vm7 =	veq.f32 v21, v23;
	v14 =	vpop (erf)  }
0x66: {  	_ =	sdelay $0x1  }
0x67: {  	(erf) = vrcp.f32 v20  }
0x68: {  	v8 =	vmctz.xlane vm4  }
0x69: {  	vm5 =	veq.s32 v19, v0;
	v30 =	vsub.f32 v5, v9;
	(erf) = vrcp.f32 v16  }
0x6a: {  	v33 =	vsub.f32 v4, v15;
	v34 =	vmctz.xlane vm6;
	v27 =	vsel vm5, $0xFF61B1E6, v4;
	v28, _, _ =	vpop (xrf2)  }
0x6b: {  	vm4 =	veq.s32 v8, v0;
	(erf) = vpow2.f32 v17;
	v16 =	vbroadcast v28, $0xF;
	(xrf0) =	vmax.scan.msk.f32 $0xffff, v27;
	v32, _, _ =	vpop (xrf2)  }
0x6c: {  	v29 =	vsel vm4, $0xFF61B1E6, v5;
	(erf) = vpow2.f32 v18;
	v18 =	vbroadcast v32, $0xF  }
0x6d: {  	v5 =	vmul.f32 $1.442695020e+00, v30;
	v35, _, _ =	vpop (xrf0);
	(erf) = vrcp.f32 v16;
	(xrf0) =	vmax.scan.msk.f32 $0xffff, v29  }
0x6e: {  	v36 =	vpop (erf);
	v4 =	vmul.f32 $1.442695020e+00, v33;
	(erf) = vrcp.f32 v18  }
0x6f: {  	v31 =	vmctz.xlane vm7;
	v38, _, _ =	vpop (xrf0);
	(erf) = vpow2.f32 v5  }
0x70: {  	vm6 =	veq.s32 v34, v0;
	v39 =	vbroadcast v38, $0xF;
	v40 =	vpop (erf);
	(erf) = vpow2.f32 v4  }
0x71: {  	vm11 =	vmmov vm5;
	vm8 =	veq.s32 v31, v0;
	vm1 =	vmor vm1, vm6;
	v42, _, _ =	vpop (xrf0)  }
0x72: {  	vm2 =	vmor vm2, vm8;
	v37 =	vbroadcast v35, $0xF;
	vm13 =	veq.f32 v13, v39;
	v41 =	vpop (erf)  }
0x73: {  	v46 =	vnsel vm1, $0x0, v36;
	v44 =	vmctz.xlane vm13;
	v5 =	vbroadcast v42, $0xF;
	v45, _, _ =	vpop (xrf0)  }
0x74: {  	v14 =	vnsel vm2, $0x0, v14;
	vm12 =	veq.f32 v10, v37;
	v47 =	vpop (erf);
	v13 =	vbroadcast v45, $0xF  }
0x75: {  	(xrf2) =	vadd.scan.msk.f32 $0xffff, v46;
	v43 =	vmctz.xlane vm12;
	vm14 =	veq.s32 v44, v0;
	v48 =	vpop (erf);
	vm9 =	veq.f32 v27, v5  }
0x76: {  	(xrf2) =	vadd.scan.msk.f32 $0xffff, v14;
	vm1 =	vmor vm3, vm14;
	v49 =	vpop (erf);
	vm10 =	veq.f32 v29, v13;
	v8 =	vmctz.xlane vm9  }
0x77: {  	vm15 =	veq.s32 v43, v0;
	v16 =	vnsel vm1, $0x0, v47;
	v13 =	vmctz.xlane vm10;
	v50 =	vpop (erf)  }
0x78: {  	vm13 =	vmmov vm4;
	vm0 =	vmor vm0, vm15;
	(xrf2) =	vadd.scan.msk.f32 $0xffff, v16;
	vm12 =	veq.s32 v8, v0;
	v51 =	vpop (erf)  }
0x79: {  	v9 =	vnsel vm0, $0x0, v48;
	vm14 =	veq.s32 v13, v0;
	vm0 =	vmor vm11, vm12;
	v52 =	vpop (erf)  }
0x7a: {  	(xrf2) =	vadd.scan.msk.f32 $0xffff, v9;
	vm15 =	vmor vm13, vm14;
	v8 =	vnsel vm0, $0x0, v52  }
0x7b: {  	v53 =	vnsel vm15, $0x0, v51;
	(xrf2) =	vadd.scan.msk.f32 $0xffff, v8  }
0x7c: {  	(xrf2) =	vadd.scan.msk.f32 $0xffff, v53;
	_ =	sdelay $0x2  }
0x7d: {  	v54, _, _ =	vpop (xrf2)  }
0x7e: {  	v55, _, _ =	vpop (xrf2)  }
0x7f: {  	v18 =	vbroadcast v55, $0xF  }
0x80: {  	v17 =	vbroadcast v54, $0xF;
	v56, _, _ =	vpop (xrf2)  }
0x81: {  	(erf) = vrcp.f32 v18;
	v57 =	vbroadcast v56, $0xF  }
0x82: {  	(erf) = vrcp.f32 v17;
	v21, _, _ =	vpop (xrf2)  }
0x83: {  	(erf) = vrcp.f32 v57;
	v58, _, _ =	vpop (xrf2)  }
0x84: {  	v1 =	vmul.f32 v11, v1;
	v59 =	vbroadcast v21, $0xF;
	v60, _, _ =	vpop (xrf2)  }
0x85: {  	v3 =	vmul.f32 v40, v3;
	v61 =	vbroadcast v60, $0xF  }
0x86: {  	(erf) = vrcp.f32 v59;
	v62 =	vbroadcast v58, $0xF  }
0x87: {  	[tilespmem:s9+$0x8100] =	vst v12;
	(erf) = vrcp.f32 v61  }
0x88: {  	[tilespmem:s9+$0x8080] =	vst v1;
	v1 =	vmul.f32 v41, v2;
	(erf) = vrcp.f32 v62  }
0x89: {  	[tilespmem:s9+$0x8000] =	vst v3;
	v2 =	vmul.f32 v49, v7  }
0x8a: {  	[tilespmem:s9+$0x8180] =	vst v1;
	v3 =	vpop (erf)  }
0x8b: {  	[tilespmem:s10+$0x8100] =	vst v2;
	v63 =	vpop (erf);
	v2 =	vmul.f32 v3, v14  }
0x8c: {  	v1 =	vmul.f32 v50, v6;
	v3 =	vpop (erf)  }
0x8d: {  	v3 =	vmul.f32 v3, v16  }
0x8e: {  	[tilespmem:s10+$0x8080] =	vst v1;
	v1 =	vmul.f32 v63, v46  }
0x8f: {  	[tilespmem:s10+$0x8000] =	vst v2;
	v2 =	vpop (erf)  }
0x90: {  	[tilespmem:s10+$0x8180] =	vst v1;
	v1 =	vmul.f32 v2, v9;
	v2 =	vpop (erf)  }
0x91: {  	[tilespmem:s11+$0x8100] =	vst v3;
	v2 =	vmul.f32 v2, v53;
	v3 =	vpop (erf)  }
0x92: {  	s8 =	sadd.s32 $0x1, s8;
	[tilespmem:s11+$0x8080] =	vst v1;
	v1 =	vmul.f32 v3, v8  }
0x93: {  	p0 =	sne.s32 s8, s5;
	[tilespmem:s11+$0x8000] =	vst v2  }
.Ltmp1:
0x94: {  	[tilespmem:s11+$0x8180] =	vst v1;
	(pc) =	sbr.rel @p0 .LBB2_1-.Ltmp1, $4  }
0x95: {  	[hbm4b:s4+s2] =	stream.linear.scatter [tilespmem:s7], [sflag:$0x1], $0x8000, $0x38;
	[tilespmem:$0x10000] =	vst v63  }
0x96: {  	_ =	swait.ge [sflag:s6], $0x8000  }
0x97: {  	[sflag:s6] =	ssyncset.done $0x0  }
0x98: {  	[sflag:s6] =	ssyncadd.s32 $0xFFFF8000  }
0x99: {  	_ =	sfence.sel $0x180000  }
0x9a: {  	[bflag:$0x0] =	sbarrier.arrive $0xFFFF  }
0x9b: {  	p0 =	sne.s32 s1, $0x0;
	_ =	strace $0x90000047  }
0x9c: {  	s0 =	sadd.s32 @!p0 $0x100000, s0;
	[bflag:$0x2] =	sbarrier.arrive $0xFFFF  }
0x9d: {  	[sflag:s0] =	ssyncadd.tile.s32 @!p0 $0x1;
	_ =	shalt  }
.Lfunc_end2:
_tile_overlayer_lowered:
.L_overlay_start_2:
0x9e: {  	(tag) =	ssettag $0x2  }
0x9f: {  	s0 =	rddreg [dreg:$0x0];
	s2 =	stileid.u32  }
0xa0: {  	s1 =	rddreg [dreg:$0x1];
	p0 =	sne.s32 s2, $0x0  }
0xa1: {  	s3 =	rddreg [dreg:$0x2];
	[bflag:$0x3] =	sbarrier.arrive $0xFFFF;
	s2 =	simm.s32 @!p0 $0x1C01  }
0xa2: {  	[timem:s3], [sflag:s2] =	dma.local @!p0 [hbm:s0], s1  }
0xa3: {  	s0 =	simm.s32 @!p0 $0x1  }
0xa4: {  	_ =	swait.ge @!p0 [sflag:s0], s1  }
0xa5: {  	s1 =	ssub.s32 @!p0 $0x0, s1;
	[sflag:s0] =	ssyncset.done @!p0 $0x0  }
0xa6: {  	[sflag:s0] =	ssyncadd.s32 @!p0 s1  }
0xa7: {  	[bflag:$0x3] =	sbarrier.arrive $0xFFFF  }
0xa8: {  	_ =	shalt  }

</sc_bundles>
